<compile_context>
chip_gen: v7x
topology: tpu7x:2x2x1
jax: 0.10.2.dev20260603
libtpu: 0.0.44.dev20260713+nightly
codegen_flags: <defaults>
</compile_context>

<pallas_src>
import functools

import jax
import jax.numpy as jnp
from jax import lax
from jax.experimental import pallas as pl
from jax.experimental.pallas import tpu as pltpu
from jax.experimental.pallas import tpu_sc as plsc

_LANES = 16

_K1 = 0
_K2 = 123
_K3 = _K1 ^ _K2 ^ 0x1BD11BDA
_ROT0 = (13, 15, 26, 6)
_ROT1 = (17, 29, 16, 24)


def _rotl(x, r):
    return (x << jnp.uint32(r)) | (x >> jnp.uint32(32 - r))


def _threefry2x32(x0, x1):
    ks = (jnp.uint32(_K1), jnp.uint32(_K2), jnp.uint32(_K3))
    x0 = x0 + ks[0]
    x1 = x1 + ks[1]

    def rounds(x0, x1, rots):
        for r in rots:
            x0 = x0 + x1
            x1 = x0 ^ _rotl(x1, r)
        return x0, x1

    x0, x1 = rounds(x0, x1, _ROT0)
    x0, x1 = x0 + ks[1], x1 + ks[2] + jnp.uint32(1)
    x0, x1 = rounds(x0, x1, _ROT1)
    x0, x1 = x0 + ks[2], x1 + ks[0] + jnp.uint32(2)
    x0, x1 = rounds(x0, x1, _ROT0)
    x0, x1 = x0 + ks[0], x1 + ks[1] + jnp.uint32(3)
    x0, x1 = rounds(x0, x1, _ROT1)
    x0, x1 = x0 + ks[1], x1 + ks[2] + jnp.uint32(4)
    x0, x1 = rounds(x0, x1, _ROT0)
    x0, x1 = x0 + ks[2], x1 + ks[0] + jnp.uint32(5)
    return x0, x1


def _sc_sampler(num_cores, rows_per_worker, num_actions,
                action_hbm, action_v):
    wid = lax.axis_index("s") * num_cores + lax.axis_index("c")
    row_base = wid * rows_per_worker

    lane = lax.iota(jnp.int32, _LANES)
    zero_u32 = jnp.zeros((_LANES,), jnp.uint32)

    def group(g, _):
        rows_u32 = (lane + (jnp.int32(row_base) + g * _LANES)).astype(jnp.uint32)

        def step(a, carry):
            best_bits, best_act = carry
            cnt = rows_u32 * jnp.uint32(num_actions) + a.astype(jnp.uint32)
            b0, b1 = _threefry2x32(zero_u32, cnt)
            key23 = (b0 ^ b1) >> jnp.uint32(9)
            take = key23 > best_bits
            best_bits = jnp.where(take, key23, best_bits)
            best_act = jnp.where(take, jnp.broadcast_to(a, (_LANES,)), best_act)
            return best_bits, best_act

        _, best_act = lax.fori_loop(
            0, num_actions, step,
            (jnp.zeros((_LANES,), jnp.uint32), jnp.zeros((_LANES,), jnp.int32)))
        b_dim = action_hbm.shape[1]
        action_v[(g * _LANES) // b_dim,
                 pl.ds((g * _LANES) % b_dim, _LANES)] = best_act
        return 0

    lax.fori_loop(0, rows_per_worker // _LANES, group, 0)

    b_dim = action_hbm.shape[1]
    pltpu.sync_copy(
        action_v,
        action_hbm.at[pl.ds(row_base // b_dim, rows_per_worker // b_dim)])


def _tc_dense(theta_ref, logits_ref, baseline_ref):
    z = theta_ref[...] * 0.0
    t, b, a = logits_ref.shape
    logits_ref[...] = jnp.broadcast_to(z[None, None, :], (t, b, a))
    baseline_ref[...] = jnp.broadcast_to(jnp.sum(z), (t, b))


def kernel(observation, theta, core_state):
    T, B = observation.shape[0], observation.shape[1]
    A = theta.shape[0]
    n_rows = T * B

    info = plsc.get_sparse_core_info()
    num_cores, num_subcores = 1, info.num_subcores
    num_workers = num_cores * num_subcores
    assert n_rows % (num_workers * _LANES) == 0
    rows_per_worker = n_rows // num_workers

    assert rows_per_worker % B == 0

    mesh = plsc.VectorSubcoreMesh(
        core_axis_name="c", subcore_axis_name="s", num_cores=num_cores)
    sample = pl.kernel(
        functools.partial(_sc_sampler, num_cores, rows_per_worker, A),
        out_type=jax.ShapeDtypeStruct((T, B), jnp.int32),
        mesh=mesh,
        scratch_types=(pltpu.VMEM((rows_per_worker // B, B), jnp.int32),),
    )

    dense = pl.pallas_call(
        _tc_dense,
        out_shape=(
            jax.ShapeDtypeStruct((T, B, A), jnp.float32),
            jax.ShapeDtypeStruct((T, B), jnp.float32),
        ),
    )

    action = sample()
    policy_logits, baseline = dense(theta)
    return (policy_logits, baseline, action)

# --- scband reference (transcript-rebuilt; emitter-appended) ---
"""Pipeline reference for scband-random-net-12360915878002 (READ-ONLY COPY).

The authoritative reference and input builder live on the scoring server;
editing this copy changes nothing except your own understanding.
"""

import jax, jax.numpy as jnp
import numpy as np

NUM_ACTIONS = 18

def setup_inputs(seed: int = 0) -> dict:
    key = jax.random.key(seed)
    k1, k2 = jax.random.split(key)
    observation = jax.random.normal(k1, (16, 32, 4, 84, 84), dtype=jnp.float32)
    theta = jnp.zeros((NUM_ACTIONS,), dtype=jnp.float32)
    return {"observation": observation, "theta": theta, "core_state": 0}


def reference(observation, theta, core_state):
    T, B = observation.shape[0], observation.shape[1]
    A = theta.shape[0]
    zeros = theta * 0
    policy_logits = jnp.broadcast_to(zeros[None, :], (T * B, A))
    baseline = policy_logits.sum(axis=1).reshape(-1, B)
    probs = jax.nn.softmax(policy_logits, axis=1)
    key = jax.random.key(123)
    action = jax.random.categorical(key, jnp.log(probs + 1e-20), axis=1).reshape(T, B)
    policy_logits = policy_logits.reshape(T, B, A)
    return (policy_logits, baseline, action)

if __name__ == "__main__":
    import jax
    _d = setup_inputs()
    print(jax.jit(kernel)(*tuple(_d.values())))

</pallas_src>

<mosaic_0001>
#map = affine_map<(d0, d1) -> (0, 0)>
module attributes {stable_mosaic.version = 14 : i64} {
  func.func @_sc_sampler(%arg0: i32, %arg1: i32, %arg2: memref<16x32xi32, #tpu.memory_space<hbm>>, %arg3: memref<1x32xi32, #tpu.memory_space<vmem>>) attributes {dimension_semantics = [#tpu.dimension_semantics<core_parallel>, #tpu.dimension_semantics<subcore_parallel>], iteration_bounds = array<i64: 1, 16>, scalar_prefetch = 0 : i64, scratch_operands = 1 : i64, tpu.core_type = #tpu.core_type<sc_vector_subcore>, window_params = [{transform_indices = #map}]} {
    %mul3A = arith.constant 1 : i32
    %mul3A_0 = arith.muli %arg1, %mul3A : i32
    %add3A = arith.addi %mul3A_0, %arg0 : i32
    %mul3A_1 = arith.constant 32 : i32
    %mul3A_2 = arith.muli %add3A, %mul3A_1 : i32
    %iota3A = tpu.iota {dimensions = array<i32: 0>} : vector<16xi32>
    %broadcast_in_dim3A = arith.constant 0 : i32
    %broadcast_in_dim3A_3 = vector.broadcast %broadcast_in_dim3A : i32 to vector<16xi32>
    %scan3A = arith.constant 0 : i32
    %scan3A_4 = arith.constant 0 : i32
    %scan3A_5 = arith.constant 2 : i32
    %scan3A_6 = arith.addi %scan3A_4, %scan3A_5 : i32
    %scan3A_7 = arith.constant 1 : i32
    %scan3A_8 = scf.for %scan3A_26 = %scan3A_4 to %scan3A_6 step %scan3A_7 iter_args(%scan3A_27 = %scan3A) -> (i32)  : i32 {
      %mul3A_28 = arith.constant 16 : i32
      %mul3A_29 = arith.muli %scan3A_26, %mul3A_28 : i32
      %add3A_30 = arith.addi %mul3A_2, %mul3A_29 : i32
      %add3A_31 = vector.broadcast %add3A_30 : i32 to vector<16xi32>
      %add3A_32 = arith.addi %iota3A, %add3A_31 : vector<16xi32>
      %broadcast_in_dim3A_33 = arith.constant 0 : i32
      %broadcast_in_dim3A_34 = vector.broadcast %broadcast_in_dim3A_33 : i32 to vector<16xi32>
      %broadcast_in_dim3A_35 = arith.constant 0 : i32
      %broadcast_in_dim3A_36 = vector.broadcast %broadcast_in_dim3A_35 : i32 to vector<16xi32>
      %scan3A_37 = arith.constant 0 : i32
      %scan3A_38 = arith.constant 18 : i32
      %scan3A_39 = arith.addi %scan3A_37, %scan3A_38 : i32
      %scan3A_40 = arith.constant 1 : i32
      %scan3A_41:2 = scf.for %scan3A_90 = %scan3A_37 to %scan3A_39 step %scan3A_40 iter_args(%scan3A_91 = %broadcast_in_dim3A_34, %scan3A_92 = %broadcast_in_dim3A_36) -> (vector<16xi32>, vector<16xi32>)  : i32 {
        %mul3A_93 = arith.constant 18 : i32
        %mul3A_94 = vector.broadcast %mul3A_93 : i32 to vector<16xi32>
        %mul3A_95 = arith.muli %add3A_32, %mul3A_94 : vector<16xi32>
        %add3A_96 = vector.broadcast %scan3A_90 : i32 to vector<16xi32>
        %add3A_97 = arith.addi %mul3A_95, %add3A_96 : vector<16xi32>
        %add3A_98 = arith.constant 0 : i32
        %add3A_99 = vector.broadcast %add3A_98 : i32 to vector<16xi32>
        %add3A_100 = arith.addi %broadcast_in_dim3A_3, %add3A_99 : vector<16xi32>
        %add3A_101 = arith.constant 123 : i32
        %add3A_102 = vector.broadcast %add3A_101 : i32 to vector<16xi32>
        %add3A_103 = arith.addi %add3A_97, %add3A_102 : vector<16xi32>
        %add3A_104 = arith.addi %add3A_100, %add3A_103 : vector<16xi32>
        %shift_left3A = arith.constant 13 : i32
        %shift_left3A_105 = vector.broadcast %shift_left3A : i32 to vector<16xi32>
        %shift_left3A_106 = arith.shli %add3A_103, %shift_left3A_105 : vector<16xi32>
        %shift_right_logical3A = arith.constant 19 : i32
        %shift_right_logical3A_107 = vector.broadcast %shift_right_logical3A : i32 to vector<16xi32>
        %shift_right_logical3A_108 = arith.shrui %add3A_103, %shift_right_logical3A_107 : vector<16xi32>
        %or3A = arith.ori %shift_left3A_106, %shift_right_logical3A_108 : vector<16xi32>
        %xor3A = arith.xori %add3A_104, %or3A : vector<16xi32>
        %add3A_109 = arith.addi %add3A_104, %xor3A : vector<16xi32>
        %shift_left3A_110 = arith.constant 15 : i32
        %shift_left3A_111 = vector.broadcast %shift_left3A_110 : i32 to vector<16xi32>
        %shift_left3A_112 = arith.shli %xor3A, %shift_left3A_111 : vector<16xi32>
        %shift_right_logical3A_113 = arith.constant 17 : i32
        %shift_right_logical3A_114 = vector.broadcast %shift_right_logical3A_113 : i32 to vector<16xi32>
        %shift_right_logical3A_115 = arith.shrui %xor3A, %shift_right_logical3A_114 : vector<16xi32>
        %or3A_116 = arith.ori %shift_left3A_112, %shift_right_logical3A_115 : vector<16xi32>
        %xor3A_117 = arith.xori %add3A_109, %or3A_116 : vector<16xi32>
        %add3A_118 = arith.addi %add3A_109, %xor3A_117 : vector<16xi32>
        %shift_left3A_119 = arith.constant 26 : i32
        %shift_left3A_120 = vector.broadcast %shift_left3A_119 : i32 to vector<16xi32>
        %shift_left3A_121 = arith.shli %xor3A_117, %shift_left3A_120 : vector<16xi32>
        %shift_right_logical3A_122 = arith.constant 6 : i32
        %shift_right_logical3A_123 = vector.broadcast %shift_right_logical3A_122 : i32 to vector<16xi32>
        %shift_right_logical3A_124 = arith.shrui %xor3A_117, %shift_right_logical3A_123 : vector<16xi32>
        %or3A_125 = arith.ori %shift_left3A_121, %shift_right_logical3A_124 : vector<16xi32>
        %xor3A_126 = arith.xori %add3A_118, %or3A_125 : vector<16xi32>
        %add3A_127 = arith.addi %add3A_118, %xor3A_126 : vector<16xi32>
        %shift_left3A_128 = arith.constant 6 : i32
        %shift_left3A_129 = vector.broadcast %shift_left3A_128 : i32 to vector<16xi32>
        %shift_left3A_130 = arith.shli %xor3A_126, %shift_left3A_129 : vector<16xi32>
        %shift_right_logical3A_131 = arith.constant 26 : i32
        %shift_right_logical3A_132 = vector.broadcast %shift_right_logical3A_131 : i32 to vector<16xi32>
        %shift_right_logical3A_133 = arith.shrui %xor3A_126, %shift_right_logical3A_132 : vector<16xi32>
        %or3A_134 = arith.ori %shift_left3A_130, %shift_right_logical3A_133 : vector<16xi32>
        %xor3A_135 = arith.xori %add3A_127, %or3A_134 : vector<16xi32>
        %add3A_136 = arith.constant 123 : i32
        %add3A_137 = vector.broadcast %add3A_136 : i32 to vector<16xi32>
        %add3A_138 = arith.addi %add3A_127, %add3A_137 : vector<16xi32>
        %add3A_139 = arith.constant 466688929 : i32
        %add3A_140 = vector.broadcast %add3A_139 : i32 to vector<16xi32>
        %add3A_141 = arith.addi %xor3A_135, %add3A_140 : vector<16xi32>
        %add3A_142 = arith.constant 1 : i32
        %add3A_143 = vector.broadcast %add3A_142 : i32 to vector<16xi32>
        %add3A_144 = arith.addi %add3A_141, %add3A_143 : vector<16xi32>
        %add3A_145 = arith.addi %add3A_138, %add3A_144 : vector<16xi32>
        %shift_left3A_146 = arith.constant 17 : i32
        %shift_left3A_147 = vector.broadcast %shift_left3A_146 : i32 to vector<16xi32>
        %shift_left3A_148 = arith.shli %add3A_144, %shift_left3A_147 : vector<16xi32>
        %shift_right_logical3A_149 = arith.constant 15 : i32
        %shift_right_logical3A_150 = vector.broadcast %shift_right_logical3A_149 : i32 to vector<16xi32>
        %shift_right_logical3A_151 = arith.shrui %add3A_144, %shift_right_logical3A_150 : vector<16xi32>
        %or3A_152 = arith.ori %shift_left3A_148, %shift_right_logical3A_151 : vector<16xi32>
        %xor3A_153 = arith.xori %add3A_145, %or3A_152 : vector<16xi32>
        %add3A_154 = arith.addi %add3A_145, %xor3A_153 : vector<16xi32>
        %shift_left3A_155 = arith.constant 29 : i32
        %shift_left3A_156 = vector.broadcast %shift_left3A_155 : i32 to vector<16xi32>
        %shift_left3A_157 = arith.shli %xor3A_153, %shift_left3A_156 : vector<16xi32>
        %shift_right_logical3A_158 = arith.constant 3 : i32
        %shift_right_logical3A_159 = vector.broadcast %shift_right_logical3A_158 : i32 to vector<16xi32>
        %shift_right_logical3A_160 = arith.shrui %xor3A_153, %shift_right_logical3A_159 : vector<16xi32>
        %or3A_161 = arith.ori %shift_left3A_157, %shift_right_logical3A_160 : vector<16xi32>
        %xor3A_162 = arith.xori %add3A_154, %or3A_161 : vector<16xi32>
        %add3A_163 = arith.addi %add3A_154, %xor3A_162 : vector<16xi32>
        %shift_left3A_164 = arith.constant 16 : i32
        %shift_left3A_165 = vector.broadcast %shift_left3A_164 : i32 to vector<16xi32>
        %shift_left3A_166 = arith.shli %xor3A_162, %shift_left3A_165 : vector<16xi32>
        %shift_right_logical3A_167 = arith.constant 16 : i32
        %shift_right_logical3A_168 = vector.broadcast %shift_right_logical3A_167 : i32 to vector<16xi32>
        %shift_right_logical3A_169 = arith.shrui %xor3A_162, %shift_right_logical3A_168 : vector<16xi32>
        %or3A_170 = arith.ori %shift_left3A_166, %shift_right_logical3A_169 : vector<16xi32>
        %xor3A_171 = arith.xori %add3A_163, %or3A_170 : vector<16xi32>
        %add3A_172 = arith.addi %add3A_163, %xor3A_171 : vector<16xi32>
        %shift_left3A_173 = arith.constant 24 : i32
        %shift_left3A_174 = vector.broadcast %shift_left3A_173 : i32 to vector<16xi32>
        %shift_left3A_175 = arith.shli %xor3A_171, %shift_left3A_174 : vector<16xi32>
        %shift_right_logical3A_176 = arith.constant 8 : i32
        %shift_right_logical3A_177 = vector.broadcast %shift_right_logical3A_176 : i32 to vector<16xi32>
        %shift_right_logical3A_178 = arith.shrui %xor3A_171, %shift_right_logical3A_177 : vector<16xi32>
        %or3A_179 = arith.ori %shift_left3A_175, %shift_right_logical3A_178 : vector<16xi32>
        %xor3A_180 = arith.xori %add3A_172, %or3A_179 : vector<16xi32>
        %add3A_181 = arith.constant 466688929 : i32
        %add3A_182 = vector.broadcast %add3A_181 : i32 to vector<16xi32>
        %add3A_183 = arith.addi %add3A_172, %add3A_182 : vector<16xi32>
        %add3A_184 = arith.constant 0 : i32
        %add3A_185 = vector.broadcast %add3A_184 : i32 to vector<16xi32>
        %add3A_186 = arith.addi %xor3A_180, %add3A_185 : vector<16xi32>
        %add3A_187 = arith.constant 2 : i32
        %add3A_188 = vector.broadcast %add3A_187 : i32 to vector<16xi32>
        %add3A_189 = arith.addi %add3A_186, %add3A_188 : vector<16xi32>
        %add3A_190 = arith.addi %add3A_183, %add3A_189 : vector<16xi32>
        %shift_left3A_191 = arith.constant 13 : i32
        %shift_left3A_192 = vector.broadcast %shift_left3A_191 : i32 to vector<16xi32>
        %shift_left3A_193 = arith.shli %add3A_189, %shift_left3A_192 : vector<16xi32>
        %shift_right_logical3A_194 = arith.constant 19 : i32
        %shift_right_logical3A_195 = vector.broadcast %shift_right_logical3A_194 : i32 to vector<16xi32>
        %shift_right_logical3A_196 = arith.shrui %add3A_189, %shift_right_logical3A_195 : vector<16xi32>
        %or3A_197 = arith.ori %shift_left3A_193, %shift_right_logical3A_196 : vector<16xi32>
        %xor3A_198 = arith.xori %add3A_190, %or3A_197 : vector<16xi32>
        %add3A_199 = arith.addi %add3A_190, %xor3A_198 : vector<16xi32>
        %shift_left3A_200 = arith.constant 15 : i32
        %shift_left3A_201 = vector.broadcast %shift_left3A_200 : i32 to vector<16xi32>
        %shift_left3A_202 = arith.shli %xor3A_198, %shift_left3A_201 : vector<16xi32>
        %shift_right_logical3A_203 = arith.constant 17 : i32
        %shift_right_logical3A_204 = vector.broadcast %shift_right_logical3A_203 : i32 to vector<16xi32>
        %shift_right_logical3A_205 = arith.shrui %xor3A_198, %shift_right_logical3A_204 : vector<16xi32>
        %or3A_206 = arith.ori %shift_left3A_202, %shift_right_logical3A_205 : vector<16xi32>
        %xor3A_207 = arith.xori %add3A_199, %or3A_206 : vector<16xi32>
        %add3A_208 = arith.addi %add3A_199, %xor3A_207 : vector<16xi32>
        %shift_left3A_209 = arith.constant 26 : i32
        %shift_left3A_210 = vector.broadcast %shift_left3A_209 : i32 to vector<16xi32>
        %shift_left3A_211 = arith.shli %xor3A_207, %shift_left3A_210 : vector<16xi32>
        %shift_right_logical3A_212 = arith.constant 6 : i32
        %shift_right_logical3A_213 = vector.broadcast %shift_right_logical3A_212 : i32 to vector<16xi32>
        %shift_right_logical3A_214 = arith.shrui %xor3A_207, %shift_right_logical3A_213 : vector<16xi32>
        %or3A_215 = arith.ori %shift_left3A_211, %shift_right_logical3A_214 : vector<16xi32>
        %xor3A_216 = arith.xori %add3A_208, %or3A_215 : vector<16xi32>
        %add3A_217 = arith.addi %add3A_208, %xor3A_216 : vector<16xi32>
        %shift_left3A_218 = arith.constant 6 : i32
        %shift_left3A_219 = vector.broadcast %shift_left3A_218 : i32 to vector<16xi32>
        %shift_left3A_220 = arith.shli %xor3A_216, %shift_left3A_219 : vector<16xi32>
        %shift_right_logical3A_221 = arith.constant 26 : i32
        %shift_right_logical3A_222 = vector.broadcast %shift_right_logical3A_221 : i32 to vector<16xi32>
        %shift_right_logical3A_223 = arith.shrui %xor3A_216, %shift_right_logical3A_222 : vector<16xi32>
        %or3A_224 = arith.ori %shift_left3A_220, %shift_right_logical3A_223 : vector<16xi32>
        %xor3A_225 = arith.xori %add3A_217, %or3A_224 : vector<16xi32>
        %add3A_226 = arith.constant 0 : i32
        %add3A_227 = vector.broadcast %add3A_226 : i32 to vector<16xi32>
        %add3A_228 = arith.addi %add3A_217, %add3A_227 : vector<16xi32>
        %add3A_229 = arith.constant 123 : i32
        %add3A_230 = vector.broadcast %add3A_229 : i32 to vector<16xi32>
        %add3A_231 = arith.addi %xor3A_225, %add3A_230 : vector<16xi32>
        %add3A_232 = arith.constant 3 : i32
        %add3A_233 = vector.broadcast %add3A_232 : i32 to vector<16xi32>
        %add3A_234 = arith.addi %add3A_231, %add3A_233 : vector<16xi32>
        %add3A_235 = arith.addi %add3A_228, %add3A_234 : vector<16xi32>
        %shift_left3A_236 = arith.constant 17 : i32
        %shift_left3A_237 = vector.broadcast %shift_left3A_236 : i32 to vector<16xi32>
        %shift_left3A_238 = arith.shli %add3A_234, %shift_left3A_237 : vector<16xi32>
        %shift_right_logical3A_239 = arith.constant 15 : i32
        %shift_right_logical3A_240 = vector.broadcast %shift_right_logical3A_239 : i32 to vector<16xi32>
        %shift_right_logical3A_241 = arith.shrui %add3A_234, %shift_right_logical3A_240 : vector<16xi32>
        %or3A_242 = arith.ori %shift_left3A_238, %shift_right_logical3A_241 : vector<16xi32>
        %xor3A_243 = arith.xori %add3A_235, %or3A_242 : vector<16xi32>
        %add3A_244 = arith.addi %add3A_235, %xor3A_243 : vector<16xi32>
        %shift_left3A_245 = arith.constant 29 : i32
        %shift_left3A_246 = vector.broadcast %shift_left3A_245 : i32 to vector<16xi32>
        %shift_left3A_247 = arith.shli %xor3A_243, %shift_left3A_246 : vector<16xi32>
        %shift_right_logical3A_248 = arith.constant 3 : i32
        %shift_right_logical3A_249 = vector.broadcast %shift_right_logical3A_248 : i32 to vector<16xi32>
        %shift_right_logical3A_250 = arith.shrui %xor3A_243, %shift_right_logical3A_249 : vector<16xi32>
        %or3A_251 = arith.ori %shift_left3A_247, %shift_right_logical3A_250 : vector<16xi32>
        %xor3A_252 = arith.xori %add3A_244, %or3A_251 : vector<16xi32>
        %add3A_253 = arith.addi %add3A_244, %xor3A_252 : vector<16xi32>
        %shift_left3A_254 = arith.constant 16 : i32
        %shift_left3A_255 = vector.broadcast %shift_left3A_254 : i32 to vector<16xi32>
        %shift_left3A_256 = arith.shli %xor3A_252, %shift_left3A_255 : vector<16xi32>
        %shift_right_logical3A_257 = arith.constant 16 : i32
        %shift_right_logical3A_258 = vector.broadcast %shift_right_logical3A_257 : i32 to vector<16xi32>
        %shift_right_logical3A_259 = arith.shrui %xor3A_252, %shift_right_logical3A_258 : vector<16xi32>
        %or3A_260 = arith.ori %shift_left3A_256, %shift_right_logical3A_259 : vector<16xi32>
        %xor3A_261 = arith.xori %add3A_253, %or3A_260 : vector<16xi32>
        %add3A_262 = arith.addi %add3A_253, %xor3A_261 : vector<16xi32>
        %shift_left3A_263 = arith.constant 24 : i32
        %shift_left3A_264 = vector.broadcast %shift_left3A_263 : i32 to vector<16xi32>
        %shift_left3A_265 = arith.shli %xor3A_261, %shift_left3A_264 : vector<16xi32>
        %shift_right_logical3A_266 = arith.constant 8 : i32
        %shift_right_logical3A_267 = vector.broadcast %shift_right_logical3A_266 : i32 to vector<16xi32>
        %shift_right_logical3A_268 = arith.shrui %xor3A_261, %shift_right_logical3A_267 : vector<16xi32>
        %or3A_269 = arith.ori %shift_left3A_265, %shift_right_logical3A_268 : vector<16xi32>
        %xor3A_270 = arith.xori %add3A_262, %or3A_269 : vector<16xi32>
        %add3A_271 = arith.constant 123 : i32
        %add3A_272 = vector.broadcast %add3A_271 : i32 to vector<16xi32>
        %add3A_273 = arith.addi %add3A_262, %add3A_272 : vector<16xi32>
        %add3A_274 = arith.constant 466688929 : i32
        %add3A_275 = vector.broadcast %add3A_274 : i32 to vector<16xi32>
        %add3A_276 = arith.addi %xor3A_270, %add3A_275 : vector<16xi32>
        %add3A_277 = arith.constant 4 : i32
        %add3A_278 = vector.broadcast %add3A_277 : i32 to vector<16xi32>
        %add3A_279 = arith.addi %add3A_276, %add3A_278 : vector<16xi32>
        %add3A_280 = arith.addi %add3A_273, %add3A_279 : vector<16xi32>
        %shift_left3A_281 = arith.constant 13 : i32
        %shift_left3A_282 = vector.broadcast %shift_left3A_281 : i32 to vector<16xi32>
        %shift_left3A_283 = arith.shli %add3A_279, %shift_left3A_282 : vector<16xi32>
        %shift_right_logical3A_284 = arith.constant 19 : i32
        %shift_right_logical3A_285 = vector.broadcast %shift_right_logical3A_284 : i32 to vector<16xi32>
        %shift_right_logical3A_286 = arith.shrui %add3A_279, %shift_right_logical3A_285 : vector<16xi32>
        %or3A_287 = arith.ori %shift_left3A_283, %shift_right_logical3A_286 : vector<16xi32>
        %xor3A_288 = arith.xori %add3A_280, %or3A_287 : vector<16xi32>
        %add3A_289 = arith.addi %add3A_280, %xor3A_288 : vector<16xi32>
        %shift_left3A_290 = arith.constant 15 : i32
        %shift_left3A_291 = vector.broadcast %shift_left3A_290 : i32 to vector<16xi32>
        %shift_left3A_292 = arith.shli %xor3A_288, %shift_left3A_291 : vector<16xi32>
        %shift_right_logical3A_293 = arith.constant 17 : i32
        %shift_right_logical3A_294 = vector.broadcast %shift_right_logical3A_293 : i32 to vector<16xi32>
        %shift_right_logical3A_295 = arith.shrui %xor3A_288, %shift_right_logical3A_294 : vector<16xi32>
        %or3A_296 = arith.ori %shift_left3A_292, %shift_right_logical3A_295 : vector<16xi32>
        %xor3A_297 = arith.xori %add3A_289, %or3A_296 : vector<16xi32>
        %add3A_298 = arith.addi %add3A_289, %xor3A_297 : vector<16xi32>
        %shift_left3A_299 = arith.constant 26 : i32
        %shift_left3A_300 = vector.broadcast %shift_left3A_299 : i32 to vector<16xi32>
        %shift_left3A_301 = arith.shli %xor3A_297, %shift_left3A_300 : vector<16xi32>
        %shift_right_logical3A_302 = arith.constant 6 : i32
        %shift_right_logical3A_303 = vector.broadcast %shift_right_logical3A_302 : i32 to vector<16xi32>
        %shift_right_logical3A_304 = arith.shrui %xor3A_297, %shift_right_logical3A_303 : vector<16xi32>
        %or3A_305 = arith.ori %shift_left3A_301, %shift_right_logical3A_304 : vector<16xi32>
        %xor3A_306 = arith.xori %add3A_298, %or3A_305 : vector<16xi32>
        %add3A_307 = arith.addi %add3A_298, %xor3A_306 : vector<16xi32>
        %shift_left3A_308 = arith.constant 6 : i32
        %shift_left3A_309 = vector.broadcast %shift_left3A_308 : i32 to vector<16xi32>
        %shift_left3A_310 = arith.shli %xor3A_306, %shift_left3A_309 : vector<16xi32>
        %shift_right_logical3A_311 = arith.constant 26 : i32
        %shift_right_logical3A_312 = vector.broadcast %shift_right_logical3A_311 : i32 to vector<16xi32>
        %shift_right_logical3A_313 = arith.shrui %xor3A_306, %shift_right_logical3A_312 : vector<16xi32>
        %or3A_314 = arith.ori %shift_left3A_310, %shift_right_logical3A_313 : vector<16xi32>
        %xor3A_315 = arith.xori %add3A_307, %or3A_314 : vector<16xi32>
        %add3A_316 = arith.constant 466688929 : i32
        %add3A_317 = vector.broadcast %add3A_316 : i32 to vector<16xi32>
        %add3A_318 = arith.addi %add3A_307, %add3A_317 : vector<16xi32>
        %add3A_319 = arith.constant 0 : i32
        %add3A_320 = vector.broadcast %add3A_319 : i32 to vector<16xi32>
        %add3A_321 = arith.addi %xor3A_315, %add3A_320 : vector<16xi32>
        %add3A_322 = arith.constant 5 : i32
        %add3A_323 = vector.broadcast %add3A_322 : i32 to vector<16xi32>
        %add3A_324 = arith.addi %add3A_321, %add3A_323 : vector<16xi32>
        %xor3A_325 = arith.xori %add3A_318, %add3A_324 : vector<16xi32>
        %shift_right_logical3A_326 = arith.constant 9 : i32
        %shift_right_logical3A_327 = vector.broadcast %shift_right_logical3A_326 : i32 to vector<16xi32>
        %shift_right_logical3A_328 = arith.shrui %xor3A_325, %shift_right_logical3A_327 : vector<16xi32>
        %gt3A = arith.cmpi ugt, %shift_right_logical3A_328, %scan3A_91 : vector<16xi32>
        %select_n3A_329 = arith.select %gt3A, %shift_right_logical3A_328, %scan3A_91 : vector<16xi1>, vector<16xi32>
        %broadcast_in_dim3A_330 = vector.broadcast %scan3A_90 : i32 to vector<16xi32>
        %select_n3A_331 = arith.select %gt3A, %broadcast_in_dim3A_330, %scan3A_92 : vector<16xi1>, vector<16xi32>
        scf.yield %select_n3A_329, %select_n3A_331 : vector<16xi32>, vector<16xi32>
      }
      %scan3A_42 = arith.constant 18 : i32
      %mul3A_43 = arith.constant 16 : i32
      %mul3A_44 = arith.muli %scan3A_26, %mul3A_43 : i32
      %jit3A_45 = arith.constant 32 : i32
      %div3A_46 = arith.divsi %mul3A_44, %jit3A_45 : i32
      %sign3A_47 = arith.constant 0 : i32
      %sign3A_48 = arith.cmpi sgt, %mul3A_44, %sign3A_47 : i32
      %sign3A_49 = arith.extui %sign3A_48 : i1 to i32
      %sign3A_50 = arith.constant 0 : i32
      %sign3A_51 = arith.cmpi slt, %mul3A_44, %sign3A_50 : i32
      %sign3A_52 = arith.extui %sign3A_51 : i1 to i32
      %sign3A_53 = arith.subi %sign3A_49, %sign3A_52 : i32
      %sign3A_54 = arith.constant 0 : i32
      %sign3A_55 = arith.cmpi sgt, %jit3A_45, %sign3A_54 : i32
      %sign3A_56 = arith.extui %sign3A_55 : i1 to i32
      %sign3A_57 = arith.constant 0 : i32
      %sign3A_58 = arith.cmpi slt, %jit3A_45, %sign3A_57 : i32
      %sign3A_59 = arith.extui %sign3A_58 : i1 to i32
      %sign3A_60 = arith.subi %sign3A_56, %sign3A_59 : i32
      %ne3A_61 = arith.cmpi ne, %sign3A_53, %sign3A_60 : i32
      %rem3A_62 = arith.remsi %mul3A_44, %jit3A_45 : i32
      %ne3A_63 = arith.constant 0 : i32
      %ne3A_64 = arith.cmpi ne, %rem3A_62, %ne3A_63 : i32
      %and3A_65 = arith.andi %ne3A_61, %ne3A_64 : i1
      %sub3A_66 = arith.constant 1 : i32
      %sub3A_67 = arith.subi %div3A_46, %sub3A_66 : i32
      %select_n3A_68 = arith.select %and3A_65, %sub3A_67, %div3A_46 : i32
      %mul3A_69 = arith.constant 16 : i32
      %mul3A_70 = arith.muli %scan3A_26, %mul3A_69 : i32
      %jit3A_71 = arith.constant 32 : i32
      %eq3A = arith.constant 0 : i32
      %eq3A_72 = arith.cmpi eq, %jit3A_71, %eq3A : i32
      %jit3A_73 = arith.constant 1 : i32
      %select_n3A_74 = arith.select %eq3A_72, %jit3A_73, %jit3A_71 : i32
      %rem3A_75 = arith.remsi %mul3A_70, %select_n3A_74 : i32
      %ne3A_76 = arith.constant 0 : i32
      %ne3A_77 = arith.cmpi ne, %rem3A_75, %ne3A_76 : i32
      %lt3A = arith.constant 0 : i32
      %lt3A_78 = arith.cmpi slt, %rem3A_75, %lt3A : i32
      %lt3A_79 = arith.constant 0 : i32
      %lt3A_80 = arith.cmpi slt, %select_n3A_74, %lt3A_79 : i32
      %ne3A_81 = arith.xori %lt3A_78, %lt3A_80 : i1
      %and3A_82 = arith.andi %ne3A_81, %ne3A_77 : i1
      %add3A_83 = arith.addi %rem3A_75, %select_n3A_74 : i32
      %select_n3A_84 = arith.select %and3A_82, %add3A_83, %rem3A_75 : i32
      %swap3A = arith.index_cast %select_n3A_68 : i32 to index
      %swap3A_85 = arith.index_cast %select_n3A_84 : i32 to index
      %swap3A_86 = tpu.vector_load %arg3[%swap3A, %swap3A_85] {strides = array<i32>} : memref<1x32xi32, #tpu.memory_space<vmem>>, vector<1x16xi32>,
      %swap3A_87 = vector.shape_cast %swap3A_86 : vector<1x16xi32> to vector<16xi32>
      %swap3A_88 = vector.shape_cast %scan3A_41#1 : vector<16xi32> to vector<1x16xi32>
      tpu.vector_store %arg3[%swap3A, %swap3A_85], %swap3A_88 {strides = array<i32>} : memref<1x32xi32, #tpu.memory_space<vmem>>, vector<1x16xi32>,
      %scan3A_89 = arith.constant 0 : i32
      scf.yield %scan3A_89 : i32
    }
    %scan3A_9 = arith.constant 2 : i32
    %jit3A = arith.constant 32 : i32
    %div3A = arith.divsi %mul3A_2, %jit3A : i32
    %sign3A = arith.constant 0 : i32
    %sign3A_10 = arith.cmpi sgt, %mul3A_2, %sign3A : i32
    %sign3A_11 = arith.extui %sign3A_10 : i1 to i32
    %sign3A_12 = arith.constant 0 : i32
    %sign3A_13 = arith.cmpi slt, %mul3A_2, %sign3A_12 : i32
    %sign3A_14 = arith.extui %sign3A_13 : i1 to i32
    %sign3A_15 = arith.subi %sign3A_11, %sign3A_14 : i32
    %sign3A_16 = arith.constant 0 : i32
    %sign3A_17 = arith.cmpi sgt, %jit3A, %sign3A_16 : i32
    %sign3A_18 = arith.extui %sign3A_17 : i1 to i32
    %sign3A_19 = arith.constant 0 : i32
    %sign3A_20 = arith.cmpi slt, %jit3A, %sign3A_19 : i32
    %sign3A_21 = arith.extui %sign3A_20 : i1 to i32
    %sign3A_22 = arith.subi %sign3A_18, %sign3A_21 : i32
    %ne3A = arith.cmpi ne, %sign3A_15, %sign3A_22 : i32
    %rem3A = arith.remsi %mul3A_2, %jit3A : i32
    %ne3A_23 = arith.constant 0 : i32
    %ne3A_24 = arith.cmpi ne, %rem3A, %ne3A_23 : i32
    %and3A = arith.andi %ne3A, %ne3A_24 : i1
    %sub3A = arith.constant 1 : i32
    %sub3A_25 = arith.subi %div3A, %sub3A : i32
    %select_n3A = arith.select %and3A, %sub3A_25, %div3A : i32
    "tpu.region"() ({
      %run_scoped3A = tpu.sem_alloc : memref<!tpu.dma_semaphore, #tpu.memory_space<semaphore_mem>>
      %dma_start3A = arith.constant 0 : i32
      %dma_start3A_26 = tpu.memref_slice %arg2[%select_n3A, %dma_start3A] : memref<16x32xi32, #tpu.memory_space<hbm>> -> memref<1x32xi32, #tpu.memory_space<hbm>>
      %dma_start3A_27 = arith.constant 0 : i32
      %dma_start3A_28 = tpu.memref_slice %arg2[%select_n3A, %dma_start3A_27] : memref<16x32xi32, #tpu.memory_space<hbm>> -> memref<1x32xi32, #tpu.memory_space<hbm>>
      tpu.enqueue_dma source(%arg3 : memref<1x32xi32, #tpu.memory_space<vmem>>) target(%dma_start3A_28 : memref<1x32xi32, #tpu.memory_space<hbm>>) target_semaphore(%run_scoped3A : memref<!tpu.dma_semaphore, #tpu.memory_space<semaphore_mem>>)
      %dma_wait3A = arith.constant 0 : i32
      %dma_wait3A_29 = tpu.memref_slice %arg2[%select_n3A, %dma_wait3A] : memref<16x32xi32, #tpu.memory_space<hbm>> -> memref<1x32xi32, #tpu.memory_space<hbm>>
      %dma_wait3A_30 = arith.constant 0 : i32
      %dma_wait3A_31 = tpu.memref_slice %arg2[%select_n3A, %dma_wait3A_30] : memref<16x32xi32, #tpu.memory_space<hbm>> -> memref<1x32xi32, #tpu.memory_space<hbm>>
      tpu.wait_dma2 semaphore(%run_scoped3A : memref<!tpu.dma_semaphore, #tpu.memory_space<semaphore_mem>>) src(%arg3 : memref<1x32xi32, #tpu.memory_space<vmem>>) dst(%dma_wait3A_31 : memref<1x32xi32, #tpu.memory_space<hbm>>)
      tpu.yield
    }) : () -> ()
    return
  }
}

module attributes {stable_mosaic.version = 14 : i64} {
  func.func @_tc_dense(%arg0: memref<18xf32, #tpu.memory_space<vmem>>, %arg1: memref<16x32x18xf32, #tpu.memory_space<vmem>>, %arg2: memref<16x32xf32, #tpu.memory_space<vmem>>) attributes {dimension_semantics = [], scalar_prefetch = 0 : i64, scratch_operands = 0 : i64, tpu.core_type = #tpu.core_type<tc>} {
    %get3A = arith.constant 0 : index
    %get3A_0 = vector.load %arg0[%get3A] : memref<18xf32, #tpu.memory_space<vmem>>, vector<18xf32>
    %mul3A = arith.constant 0.000000e+00 : f32
    %mul3A_1 = vector.broadcast %mul3A : f32 to vector<18xf32>
    %mul3A_2 = arith.mulf %get3A_0, %mul3A_1 : vector<18xf32>
    %broadcast_in_dim3A = vector.shape_cast %mul3A_2 : vector<18xf32> to vector<1x1x18xf32>
    %broadcast_in_dim3A_3 = vector.shape_cast %broadcast_in_dim3A : vector<1x1x18xf32> to vector<1x1x18xf32>
    %broadcast_in_dim3A_4 = vector.broadcast %broadcast_in_dim3A_3 : vector<1x1x18xf32> to vector<16x32x18xf32>
    %swap3A = arith.constant 0 : index
    %swap3A_5 = arith.constant 0 : index
    %swap3A_6 = arith.constant 0 : index
    %swap3A_7 = vector.load %arg1[%swap3A, %swap3A_5, %swap3A_6] : memref<16x32x18xf32, #tpu.memory_space<vmem>>, vector<16x32x18xf32>
    tpu.vector_store %arg1[%swap3A, %swap3A_5, %swap3A_6], %broadcast_in_dim3A_4 {strides = array<i32>} : memref<16x32x18xf32, #tpu.memory_space<vmem>>, vector<16x32x18xf32>,
    %reduce_sum3A = vector.shape_cast %mul3A_2 : vector<18xf32> to vector<1x18xf32>
    %reduce_sum3A_8 = arith.constant dense<0.000000e+00> : vector<1xf32>
    %reduce_sum3A_9 = vector.multi_reduction <add>, %reduce_sum3A, %reduce_sum3A_8 [1] : vector<1x18xf32> to vector<1xf32>
    %reduce_sum3A_10 = vector.shape_cast %reduce_sum3A_9 : vector<1xf32> to vector<1x1xf32>
    %reduce_sum3A_11 = vector.extract %reduce_sum3A_10[0, 0] : f32 from vector<1x1xf32>
    %broadcast_in_dim3A_12 = vector.broadcast %reduce_sum3A_11 : f32 to vector<16x32xf32>
    %swap3A_13 = arith.constant 0 : index
    %swap3A_14 = arith.constant 0 : index
    %swap3A_15 = vector.load %arg2[%swap3A_13, %swap3A_14] : memref<16x32xf32, #tpu.memory_space<vmem>>, vector<16x32xf32>
    tpu.vector_store %arg2[%swap3A_13, %swap3A_14], %broadcast_in_dim3A_12 {strides = array<i32>} : memref<16x32xf32, #tpu.memory_space<vmem>>, vector<16x32xf32>,
    return
  }
}

</mosaic_0001>

<sc_bundles>
// kernel: kernel.4.cloned.1.call-start
scs
__scs_entry_jumppad:
0x0: {  	(pc) =	sbr.rel $0x88, $3  }
0x1: {  	(tag) =	ssettag $0x0;
	lr =	simm.s32 $0x1  }
0x2: {  	[smem:$0x3FA0] =	sst lr;
	_ =	strace $0xD0000000  }
0x3: {  	_ = 	snop  }
0x4: {  	_ = 	snop  }
0x5: {  	_ = 	snop  }
0x6: {  	_ = 	snop  }
0x7: {  	_ = 	snop  }
__scs_overlays_trampoline_lowered:
0x8: {  	[smem:$0x3FAF] =	sst s0  }
0x9: {  	[smem:$0x3FB0] =	sst s1  }
0xa: {  	[smem:$0x3FB1] =	sst s2  }
0xb: {  	[smem:$0x3FB2] =	sst s3  }
0xc: {  	[smem:$0x3FB3] =	sst s4  }
0xd: {  	[smem:$0x3FB4] =	sst s5  }
0xe: {  	[smem:$0x3FB5] =	sst s6  }
0xf: {  	[smem:$0x3FB6] =	sst s7  }
0x10: {  	[smem:$0x3FB7] =	sst s8  }
0x11: {  	[smem:$0x3FB8] =	sst s9;
	s0 =	simm.s32 @!p0 $0x0  }
0x12: {  	s1 =	sld [smem:$0x3F9E];
	s0 =	simm.s32 @p0 $0x1  }
0x13: {  	[smem:$0x3FB9] =	sst s0;
	s0 =	simm.s32 @!p1 $0x0  }
0x14: {  	s2 =	sld [smem:$0x3F9D];
	s0 =	simm.s32 @p1 $0x1  }
0x15: {  	[smem:$0x3FBA] =	sst s0;
	s0 =	simm.s32 @!p2 $0x0  }
0x16: {  	s3 =	sld [smem:$0x3FDB];
	s0 =	simm.s32 @p2 $0x1  }
0x17: {  	s4 =	simm.s32 $0x1BF5;
	[smem:$0x3FBC] =	sst s0  }
0x18: {  	s0 =	sld [smem:$0x3F9F];
	_ =	swait.ge [sflag:s4], $0x0  }
0x19: {  	s7 =	sld [smem:$0x3FA0]  }
0x1a: {  	s8 =	sadd.s32 $0xFFFFE003, lr  }
0x1b: {  	s9 =	sadd.s32 $0xFFFFFEF7, lr;
	s5 =	simm.s32 $0xFFFFFFFF;
	p2 =	slt.u32 s8, $0xFFFFF086  }
0x1c: {  	p1 =	slt.u32 s9, $0xF7A;
	s5 =	simm.s32 @!p2 $0x0  }
0x1d: {  	s5 =	simm.s32 @p1 $0x1;
	p0 =	seq.s32 s7, s2  }
0x1e: {  	s7 =	smul.u32 @!p0 $0xF7A, s2;
	p2 =	seq.s32 @!p0 s5, $0x0  }
0x1f: {  	s9 =	smul.u32 $0xF7A, s1;
	s8 =	simm.s32 @!p0 $0x1BF5;
	p2 =	por !p2, p0  }
0x20: {  	[sflag:s8] =	ssyncset.s32 @!p0 $0xFFFFF086;
	s6 =	sadd.s32 @!p0 s3, s7;
	s7 =	simm.s32 @!p0 $0x108  }
0x21: {  	s3 =	sadd.s32 s3, s9;
	s6 =	sadd.s32 @!p0 $0x88, s6;
	s7 =	simm.s32 @p2 $0x1082  }
0x22: {  	[simem:s7], [sflag:s8] =	dma.local @!p0 [hbm:s6], $0xF7A  }
0x23: {  	s9 =	sor.u32 $0xD0000000, s2;
	s6 =	simm.s32 $0x108;
	_ =	swait.ge @!p0 [sflag:s8], $0x0  }
0x24: {  	s3 =	sadd.s32 $0x88, s3;
	s6 =	simm.s32 @!p1 $0x1082;
	[sflag:s4] =	ssyncset.s32 $0xFFFFF086  }
0x25: {  	[simem:s6], [sflag:s4] =	dma.local [hbm:s3], $0xF7A  }
0x26: {  	[smem:$0x3FA0] =	sst s1;
	(tag) =	ssettag s2;
	_ =	strace s9  }
0x27: {  	s1 =	sld [smem:$0x3FB0]  }
0x28: {  	s2 =	sld [smem:$0x3FB1]  }
0x29: {  	s4 =	sld [smem:$0x3FB3]  }
0x2a: {  	p0 =	seq.s32 s5, $0x0;
	s5 =	sld [smem:$0x3FB4]  }
0x2b: {  	s6 =	sld [smem:$0x3FB5]  }
0x2c: {  	s7 =	sld [smem:$0x3FB6]  }
0x2d: {  	s3 =	simm.s32 $0x108;
	s8 =	sld [smem:$0x3FB7]  }
0x2e: {  	s3 =	simm.s32 @!p0 $0x1082;
	s9 =	sld [smem:$0x3FB8]  }
0x2f: {  	lr =	sadd.s32 s0, s3;
	s0 =	sld [smem:$0x3FAF]  }
0x30: {  	s3 =	sld [smem:$0x3FB2]  }
0x31: {  	[smem:$0x3FBB] =	sst s10  }
0x32: {  	s10 =	sld [smem:$0x3FB9];
	_ =	sdelay $0x3  }
0x33: {  	p0 =	seq.s32 s10, $0x1;
	s10 =	sld [smem:$0x3FBB];
	_ =	sdelay $0x3  }
0x34: {  	[smem:$0x3FBB] =	sst s10  }
0x35: {  	s10 =	sld [smem:$0x3FBA];
	_ =	sdelay $0x3  }
0x36: {  	p1 =	seq.s32 s10, $0x1;
	s10 =	sld [smem:$0x3FBB];
	_ =	sdelay $0x3  }
0x37: {  	[smem:$0x3FBB] =	sst s10  }
0x38: {  	s10 =	sld [smem:$0x3FBC]  }
0x39: {  	_ = 	snop;
	(pc) =	sbr.ind lr, $3  }
0x3a: {  	_ = 	snop  }
0x3b: {  	_ = 	snop  }
0x3c: {  	p2 =	seq.s32 s10, $0x1;
	s10 =	sld [smem:$0x3FBB]  }
0x3d: {  	_ =	shalt  }
0x3e: {  	_ =	shalt  }
0x3f: {  	_ =	shalt  }
0x40: {  	_ =	shalt  }
0x41: {  	_ =	shalt  }
0x42: {  	_ =	shalt  }
0x43: {  	_ =	shalt  }
0x44: {  	_ =	shalt  }
0x45: {  	_ =	shalt  }
0x46: {  	_ =	shalt  }
0x47: {  	_ =	shalt  }
0x48: {  	_ =	shalt  }
0x49: {  	_ =	shalt  }
0x4a: {  	_ =	shalt  }
0x4b: {  	_ =	shalt  }
0x4c: {  	_ =	shalt  }
0x4d: {  	_ =	shalt  }
0x4e: {  	_ =	shalt  }
0x4f: {  	_ =	shalt  }
0x50: {  	_ =	shalt  }
0x51: {  	_ =	shalt  }
0x52: {  	_ =	shalt  }
0x53: {  	_ =	shalt  }
0x54: {  	_ =	shalt  }
0x55: {  	_ =	shalt  }
0x56: {  	_ =	shalt  }
0x57: {  	_ =	shalt  }
0x58: {  	_ =	shalt  }
0x59: {  	_ =	shalt  }
0x5a: {  	_ =	shalt  }
0x5b: {  	_ =	shalt  }
0x5c: {  	_ =	shalt  }
0x5d: {  	_ =	shalt  }
0x5e: {  	_ =	shalt  }
0x5f: {  	_ =	shalt  }
0x60: {  	_ =	shalt  }
0x61: {  	_ =	shalt  }
0x62: {  	_ =	shalt  }
0x63: {  	_ =	shalt  }
0x64: {  	_ =	shalt  }
0x65: {  	_ =	shalt  }
0x66: {  	_ =	shalt  }
0x67: {  	_ =	shalt  }
0x68: {  	_ =	shalt  }
0x69: {  	_ =	shalt  }
0x6a: {  	_ =	shalt  }
0x6b: {  	_ =	shalt  }
0x6c: {  	_ =	shalt  }
0x6d: {  	_ =	shalt  }
0x6e: {  	_ =	shalt  }
0x6f: {  	_ =	shalt  }
0x70: {  	_ =	shalt  }
0x71: {  	_ =	shalt  }
0x72: {  	_ =	shalt  }
0x73: {  	_ =	shalt  }
0x74: {  	_ =	shalt  }
0x75: {  	_ =	shalt  }
0x76: {  	_ =	shalt  }
0x77: {  	_ =	shalt  }
0x78: {  	_ =	shalt  }
0x79: {  	_ =	shalt  }
0x7a: {  	_ =	shalt  }
0x7b: {  	_ =	shalt  }
0x7c: {  	_ =	shalt  }
0x7d: {  	_ =	shalt  }
0x7e: {  	_ =	shalt  }
0x7f: {  	_ =	shalt  }
0x80: {  	_ =	shalt  }
0x81: {  	_ =	shalt  }
0x82: {  	_ =	shalt  }
0x83: {  	_ =	shalt  }
0x84: {  	_ =	shalt  }
0x85: {  	_ =	shalt  }
0x86: {  	_ =	shalt  }
0x87: {  	_ =	shalt  }
.Lfunc_end0:
.L_simem_size_0:
called_computation_lowered:
.L_overlay_start_0:
0x88: {  	s0 =	sld [smem:$0x3FD9]  }
0x89: {  	s1 =	sld [smem:$0x3FFE];
	_ =	sdelay $0x3  }
0x8a: {  	s0 =	sadd.s32 s1, s0  }
0x8b: {  	[smem:$0x3FC7] =	sst s0  }
0x8c: {  	_ = 	snop  }
0x8d: {  	s0 =	sld [smem:$0x3FD0];
	_ =	sdelay $0x2  }
0x8e: {  	s14 =	simm.s32 $0xA;
	s2 =	simm.s32 $0x10  }
0x8f: {  	[smem:s2], [sflag:s14] =	dma.local [hbm:s0], $0x1  }
0x90: {  	_ =	swait.eq [sflag:s14], $0x1  }
0x91: {  	[sflag:s14] =	ssyncset.done $0x0  }
0x92: {  	[sflag:s14] =	ssyncadd.s32 $0xFFFFFFFF  }
0x93: {  	s15 =	sld [smem:$0x12];
	(tm) =	ssettm $0x1  }
0x94: {  	s16 =	sld [smem:$0x3FFB];
	_ =	sdelay $0x3  }
0x95: {  	_ =	strace s16  }
0x96: {  	s1 =	sld [smem:$0x3FFC];
	_ =	sdelay $0x3  }
0x97: {  	_ =	strace s1  }
0x98: {  	s1 =	sld [smem:$0x3FFD];
	_ =	sdelay $0x3  }
0x99: {  	_ =	strace s1  }
0x9a: {  	_ =	strace $0x8FFFFFFF  }
0x9b: {  	s17 =	sld [smem:$0x3FDB];
	_ =	sdelay $0x1  }
0x9c: {  	s18 =	simm.s32 $_scs_section_size  }
0x9d: {  	s3 =	simm.s32 $_size__tile_overlayer_lowered;
	s4 =	simm.s32 $_tile_overlayer_lowered  }
0x9e: {  	s21 =	simm.s32 $0x1BFF;
	s20 =	sshll.u32 s4, $0x1;
	s1 =	sadd.s32 s18, s17  }
0x9f: {  	s5 =	simm.s32 $0x0;
	s19 =	sshll.u32 s3, $0x1;
	s3 =	sadd.s32 s20, s1  }
0xa0: {  	[timem:s5], [sflag:s21] =	dma.local [hbm:s3], s19  }
0xa1: {  	_ =	swait.ge [sflag:s21], s19  }
0xa2: {  	s2 =	ssub.s32 $0x0, s19;
	[sflag:s21] =	ssyncset.done $0x0  }
0xa3: {  	[sflag:s21] =	ssyncadd.s32 s2;
	_ =	sdelay $0x1  }
0xa4: {  	s22 =	simm.s32 $0x1B8B  }
0xa5: {  	_ =	swait.ge [sflag:s22], $0x1  }
0xa6: {  	[sflag:s22] =	ssyncset.done $0x0  }
0xa7: {  	s23 =	simm.s32 $0x1B8E;
	[sflag:s22] =	ssyncadd.s32 $0xFFFFFFFF  }
0xa8: {  	s24 =	simm.s32 $execute0_lowered;
	[smem:$0x3FD2] =	sst s23  }
0xa9: {  	s2 =	sshll.u32 s24, $0x1;
	_ =	strace $0x80000046;
	[dreg:$0x1] =	wrdreg $0xFFFFFFFF  }
0xaa: {  	s25 =	simm.s32 $_size_execute0_lowered;
	s1 =	sadd.s32 s1, s2;
	[dreg:$0x0] =	wrdreg $0x0  }
0xab: {  	s2 =	sshll.u32 s25, $0x1;
	[dreg:$0x2] =	wrdreg s1  }
0xac: {  	[dreg:$0x3] =	wrdreg s2  }
0xad: {  	[dreg:$0x4] =	wrdreg $0xC0  }
0xae: {  	_ =	task [dreg:s5], $0x5FFFF  }
0xaf: {  	[dreg:$0x1] =	wrdreg $0xFFFFFFFF  }
0xb0: {  	[dreg:$0x0] =	wrdreg $0x60  }
0xb1: {  	[dreg:$0x2] =	wrdreg s15  }
0xb2: {  	[dreg:$0x3] =	wrdreg $0x9  }
0xb3: {  	_ =	task.clear_ibuf [dreg:s5], $0x4FFFF;
	_ =	strace $0x90000046  }
0xb4: {  	s26 =	simm.s32 $0x9;
	_ =	strace $0x80000048  }
0xb5: {  	_ =	swait.ge [sflag:s26], $0x1  }
0xb6: {  	[sflag:s26] =	ssyncadd.s32 $0xFFFFFFFF  }
0xb7: {  	_ =	strace $0x90000048  }
0xb8: {  	_ =	sfence  }
0xb9: {  	s28 =	sld [smem:$0x0];
	_ =	sdelay $0x1  }
0xba: {  	s29 =	srdreg.scid  }
0xbb: {  	s30 =	sshll.u32 s29, $0xD;
	s31 =	sshrl.u32 s29, $0x2  }
0xbc: {  	s1 =	sand.u32 $0x1, s29;
	s2 =	sand.u32 $0x4000, s30;
	s0 =	sadd.s32 s31, s28  }
0xbd: {  	s1 =	sor.u32 s2, s1;
	s0 =	sshll.u32 s0, $0x11  }
0xbe: {  	s0 =	sor.u32 s0, s1  }
0xbf: {  	s0 =	sadd.s32 $0x8F2B, s0  }
0xc0: {  	[sflag:s0] =	ssyncadd.remote.s32 $0x1  }
0xc1: {  	_ =	sfence.sel $0xFFFF  }
0xc2: {  	[dreg:$0x0] =	wrdreg $0xFFFFFFFF;
	(pc) =	sbr.abs _section_cstart, $3  }
0xc3: {  	[dreg:$0x1] =	wrdreg $0xFFFFFFFF  }
0xc4: {  	_ =	task.clear_ibuf [dreg:s5], $0x2FFFF;
	_ =	strace $0x9FFFFFFF  }
0xc5: {  	(tm) =	ssettm $0x7FFFFFFF  }
tec
execute0_lowered:
.L_overlay_start_1:
0x0: {  	(tag) =	ssettag $0x1  }
0x1: {  	s3 =	rddreg [dreg:$0x0]  }
0x2: {  	s0 =	rddreg [dreg:$0x1];
	v0 =	vlaneseq.u32  }
0x3: {  	s2 =	simm.s32 $0x0;
	s1 =	stileid.u32;
	p1 =	por $0x1, $0x1;
	v0 =	vmul.u32 $0x12, v0  }
0x4: {  	[smem:$0x7FF] =	sst s2;
	s4 =	sshll.u32 s1, $0x5;
	s5 =	sshll.u32 s1, $0x4  }
0x5: {  	_ =	strace $0x80000047;
	s3 =	sadd.s32 s3, s5;
	s5 =	simm.s32 $0x0;
	v0 =	vadd.s32 $0x7B, v0  }
.LBB2_1:
0x6: {  	s6 =	sor.u32 s4, s5  }
0x7: {  	v1 =	vmov s6  }
0x8: {  	v1 =	vmul.u32 $0x12, v1;
	_ =	sdelay $0x1  }
0x9: {  	v1 =	vbroadcast v1, $0x0;
	_ =	sdelay $0x1  }
0xa: {  	v1 =	vadd.s32 v0, v1  }
0xb: {  	v2 =	vadd.s32 s2, v1  }
0xc: {  	v3 =	vshrl.u32 v2, $0x13;
	v4 =	vshll.u32 v2, $0xD  }
0xd: {  	v3 =	vor.u32 v3, v4  }
0xe: {  	v3 =	vxor.u32 v2, v3  }
0xf: {  	v4 =	vshrl.u32 v3, $0x11;
	v5 =	vshll.u32 v3, $0xF  }
0x10: {  	v2 =	vadd.s32 v2, v3;
	v3 =	vor.u32 v4, v5  }
0x11: {  	v3 =	vxor.u32 v3, v2  }
0x12: {  	v4 =	vshrl.u32 v3, $0x6;
	v5 =	vshll.u32 v3, $0x1A  }
0x13: {  	v2 =	vadd.s32 v2, v3;
	v3 =	vor.u32 v4, v5  }
0x14: {  	v3 =	vxor.u32 v3, v2  }
0x15: {  	v4 =	vshrl.u32 v3, $0x1A;
	v5 =	vshll.u32 v3, $0x6  }
0x16: {  	v2 =	vadd.s32 v2, v3;
	v3 =	vor.u32 v4, v5  }
0x17: {  	v3 =	vxor.u32 v3, v2  }
0x18: {  	v3 =	vadd.s32 $0x1BD11BA2, v3  }
0x19: {  	v2 =	vadd.s32 v3, v2;
	v4 =	vshrl.u32 v3, $0xF;
	v3 =	vshll.u32 v3, $0x11  }
0x1a: {  	v2 =	vadd.s32 $0x7B, v2;
	v3 =	vor.u32 v4, v3  }
0x1b: {  	v3 =	vxor.u32 v3, v2  }
0x1c: {  	v4 =	vshrl.u32 v3, $0x3;
	v5 =	vshll.u32 v3, $0x1D  }
0x1d: {  	v2 =	vadd.s32 v2, v3;
	v3 =	vor.u32 v4, v5  }
0x1e: {  	v3 =	vxor.u32 v3, v2  }
0x1f: {  	v4 =	vshrl.u32 v3, $0x10;
	v5 =	vshll.u32 v3, $0x10  }
0x20: {  	v2 =	vadd.s32 v2, v3;
	v3 =	vor.u32 v4, v5  }
0x21: {  	v3 =	vxor.u32 v3, v2  }
0x22: {  	v4 =	vshrl.u32 v3, $0x8;
	v5 =	vshll.u32 v3, $0x18  }
0x23: {  	v2 =	vadd.s32 v2, v3;
	v3 =	vor.u32 v4, v5  }
0x24: {  	v3 =	vxor.u32 v3, v2  }
0x25: {  	v3 =	vadd.s32 $0x2, v3  }
0x26: {  	v2 =	vadd.s32 v3, v2;
	v4 =	vshrl.u32 v3, $0x13;
	v3 =	vshll.u32 v3, $0xD  }
0x27: {  	s6 =	simm.s32 $0x1;
	v2 =	vadd.s32 $0x1BD11BA1, v2;
	v3 =	vor.u32 v4, v3  }
0x28: {  	v4 =	vadd.s32 s6, v1;
	v3 =	vxor.u32 v3, v2  }
0x29: {  	v5 =	vshrl.u32 v4, $0x13;
	v6 =	vshrl.u32 v3, $0x11;
	v7 =	vshll.u32 v3, $0xF  }
0x2a: {  	v8 =	vshll.u32 v4, $0xD;
	v2 =	vadd.s32 v2, v3;
	v3 =	vor.u32 v6, v7  }
0x2b: {  	v5 =	vor.u32 v5, v8;
	v3 =	vxor.u32 v3, v2  }
0x2c: {  	v5 =	vxor.u32 v4, v5;
	v6 =	vshrl.u32 v3, $0x6;
	v7 =	vshll.u32 v3, $0x1A  }
0x2d: {  	v4 =	vadd.s32 v4, v5;
	v2 =	vadd.s32 v2, v3;
	v3 =	vor.u32 v6, v7  }
0x2e: {  	v6 =	vshrl.u32 v5, $0x11;
	v5 =	vshll.u32 v5, $0xF;
	v3 =	vxor.u32 v3, v2  }
0x2f: {  	v5 =	vor.u32 v6, v5;
	v6 =	vshrl.u32 v3, $0x1A;
	v7 =	vshll.u32 v3, $0x6  }
0x30: {  	v5 =	vxor.u32 v5, v4;
	v2 =	vadd.s32 v2, v3;
	v3 =	vor.u32 v6, v7  }
0x31: {  	v6 =	vshrl.u32 v5, $0x6;
	v7 =	vshll.u32 v5, $0x1A;
	v3 =	vxor.u32 v3, v2  }
0x32: {  	v4 =	vadd.s32 v4, v5;
	v5 =	vor.u32 v6, v7;
	v3 =	vadd.s32 $0x7E, v3  }
0x33: {  	v5 =	vxor.u32 v5, v4;
	v6 =	vshrl.u32 v3, $0xF;
	v7 =	vshll.u32 v3, $0x11  }
0x34: {  	v4 =	vadd.s32 v4, v5;
	v2 =	vadd.s32 v2, v3;
	v3 =	vor.u32 v6, v7  }
0x35: {  	v6 =	vshrl.u32 v5, $0x1A;
	v5 =	vshll.u32 v5, $0x6;
	v3 =	vxor.u32 v3, v2  }
0x36: {  	v5 =	vor.u32 v6, v5;
	v6 =	vshrl.u32 v3, $0x3;
	v7 =	vshll.u32 v3, $0x1D  }
0x37: {  	v5 =	vxor.u32 v5, v4;
	v2 =	vadd.s32 v2, v3;
	v3 =	vor.u32 v6, v7  }
0x38: {  	v5 =	vadd.s32 $0x1BD11BA2, v5;
	v3 =	vxor.u32 v3, v2  }
0x39: {  	v4 =	vadd.s32 v5, v4;
	v6 =	vshrl.u32 v3, $0x10;
	v7 =	vshll.u32 v3, $0x10  }
0x3a: {  	v8 =	vshrl.u32 v5, $0xF;
	v2 =	vadd.s32 v2, v3;
	v3 =	vor.u32 v6, v7  }
0x3b: {  	v5 =	vshll.u32 v5, $0x11;
	v4 =	vadd.s32 $0x7B, v4;
	v3 =	vxor.u32 v3, v2  }
0x3c: {  	v5 =	vor.u32 v8, v5;
	v6 =	vshrl.u32 v3, $0x8;
	v7 =	vshll.u32 v3, $0x18  }
0x3d: {  	v5 =	vxor.u32 v5, v4;
	v2 =	vadd.s32 v2, v3;
	v3 =	vor.u32 v6, v7  }
0x3e: {  	v6 =	vshrl.u32 v5, $0x3;
	v7 =	vshll.u32 v5, $0x1D;
	v3 =	vxor.u32 v3, v2  }
0x3f: {  	v4 =	vadd.s32 v4, v5;
	v5 =	vor.u32 v6, v7;
	v3 =	vadd.s32 $0x1BD11BA5, v3  }
0x40: {  	v5 =	vxor.u32 v5, v4;
	v2 =	vadd.s32 v3, v2;
	v6 =	vshrl.u32 v3, $0x13  }
0x41: {  	v3 =	vshll.u32 v3, $0xD;
	v4 =	vadd.s32 v4, v5;
	v2 =	vadd.s32 $0x7B, v2  }
0x42: {  	v3 =	vor.u32 v6, v3;
	v6 =	vshrl.u32 v5, $0x10;
	v5 =	vshll.u32 v5, $0x10  }
0x43: {  	v3 =	vxor.u32 v3, v2;
	v5 =	vor.u32 v6, v5  }
0x44: {  	v7 =	vshrl.u32 v3, $0x11;
	v8 =	vshll.u32 v3, $0xF;
	v5 =	vxor.u32 v5, v4  }
0x45: {  	v2 =	vadd.s32 v2, v3;
	v3 =	vor.u32 v7, v8;
	v6 =	vshrl.u32 v5, $0x8  }
0x46: {  	v9 =	vshll.u32 v5, $0x18;
	v4 =	vadd.s32 v4, v5;
	v3 =	vxor.u32 v3, v2  }
0x47: {  	v5 =	vor.u32 v6, v9;
	v7 =	vshrl.u32 v3, $0x6;
	v8 =	vshll.u32 v3, $0x1A  }
0x48: {  	v3 =	vadd.s32 v2, v3;
	v5 =	vxor.u32 v5, v4;
	v7 =	vor.u32 v7, v8  }
0x49: {  	v5 =	vadd.s32 $0x2, v5;
	v6 =	vxor.u32 v7, v3  }
0x4a: {  	v2 =	vimm.s32 $0x0;
	v4 =	vadd.s32 v5, v4;
	v7 =	vshrl.u32 v6, $0x1A  }
0x4b: {  	s7 =	simm.s32 $0x2;
	v8 =	vshll.u32 v6, $0x6;
	v3 =	vadd.s32 v3, v6;
	v4 =	vadd.s32 $0x1BD11BA1, v4  }
0x4c: {  	v6 =	vor.u32 v7, v8;
	v7 =	vadd.s32 s7, v1;
	v8 =	vshrl.u32 v5, $0x13  }
0x4d: {  	v5 =	vshll.u32 v5, $0xD;
	v6 =	vxor.u32 v6, v3;
	v3 =	vadd.s32 $0x1BD11BA1, v3  }
0x4e: {  	v5 =	vor.u32 v8, v5;
	v10 =	vshll.u32 v7, $0xD;
	v6 =	vadd.s32 $0x5, v6  }
0x4f: {  	v5 =	vxor.u32 v5, v4;
	v3 =	vxor.u32 v3, v6;
	v6 =	vshrl.u32 v7, $0x13  }
0x50: {  	v8 =	vshrl.u32 v5, $0x11;
	v9 =	vshll.u32 v5, $0xF;
	v5 =	vadd.s32 v4, v5  }
0x51: {  	v3 =	vshrl.u32 v3, $0x9;
	v8 =	vor.u32 v8, v9;
	v6 =	vor.u32 v6, v10  }
0x52: {  	vm0 =	vgt.u32 v3, v2;
	v8 =	vxor.u32 v8, v5;
	v6 =	vxor.u32 v7, v6  }
0x53: {  	v4 =	vsel vm0, s2, v2;
	v9 =	vshrl.u32 v8, $0x6;
	v10 =	vshll.u32 v8, $0x1A  }
0x54: {  	v7 =	vadd.s32 v7, v6;
	v5 =	vadd.s32 v5, v8;
	v8 =	vor.u32 v9, v10  }
0x55: {  	v9 =	vshrl.u32 v6, $0x11;
	v6 =	vshll.u32 v6, $0xF;
	v8 =	vxor.u32 v8, v5  }
0x56: {  	v6 =	vor.u32 v9, v6;
	v9 =	vshrl.u32 v8, $0x1A;
	v10 =	vshll.u32 v8, $0x6  }
0x57: {  	v6 =	vxor.u32 v6, v7;
	v5 =	vadd.s32 v5, v8;
	v8 =	vor.u32 v9, v10  }
0x58: {  	v9 =	vshrl.u32 v6, $0x6;
	v10 =	vshll.u32 v6, $0x1A;
	v11 =	vxor.u32 v8, v5  }
0x59: {  	p0 =	por p1, p1;
	s8 =	simm.s32 $0x3;
	v7 =	vadd.s32 v7, v6;
	v8 =	vor.u32 v9, v10;
	v6 =	vadd.s32 $0x7E, v11  }
.LBB2_2:
0x5a: {  	p1 =	sne.s32 s8, $0x11;
	v8 =	vxor.u32 v8, v7;
	v9 =	vshrl.u32 v6, $0xF;
	v10 =	vshll.u32 v6, $0x11  }
0x5b: {  	v5 =	vadd.s32 v5, v6;
	v7 =	vadd.s32 v7, v8;
	v6 =	vor.u32 v9, v10  }
0x5c: {  	v9 =	vshrl.u32 v8, $0x1A;
	v8 =	vshll.u32 v8, $0x6;
	v6 =	vxor.u32 v6, v5  }
0x5d: {  	v8 =	vor.u32 v9, v8;
	v9 =	vshrl.u32 v6, $0x3;
	v10 =	vshll.u32 v6, $0x1D  }
0x5e: {  	v8 =	vxor.u32 v8, v7;
	v5 =	vadd.s32 v5, v6;
	v6 =	vor.u32 v9, v10  }
0x5f: {  	v8 =	vadd.s32 $0x1BD11BA2, v8;
	v6 =	vxor.u32 v6, v5  }
0x60: {  	v7 =	vadd.s32 v8, v7;
	v9 =	vshrl.u32 v6, $0x10;
	v10 =	vshll.u32 v6, $0x10  }
0x61: {  	v11 =	vshrl.u32 v8, $0xF;
	v5 =	vadd.s32 v5, v6;
	v6 =	vor.u32 v9, v10  }
0x62: {  	v8 =	vshll.u32 v8, $0x11;
	v7 =	vadd.s32 $0x7B, v7;
	v6 =	vxor.u32 v6, v5  }
0x63: {  	v8 =	vor.u32 v11, v8;
	v9 =	vshrl.u32 v6, $0x8;
	v10 =	vshll.u32 v6, $0x18  }
0x64: {  	v8 =	vxor.u32 v8, v7;
	v5 =	vadd.s32 v5, v6;
	v6 =	vor.u32 v9, v10  }
0x65: {  	v9 =	vshrl.u32 v8, $0x3;
	v10 =	vshll.u32 v8, $0x1D;
	v6 =	vxor.u32 v6, v5  }
0x66: {  	v7 =	vadd.s32 v7, v8;
	v8 =	vor.u32 v9, v10;
	v6 =	vadd.s32 $0x1BD11BA5, v6  }
0x67: {  	v5 =	vadd.s32 v6, v5;
	v9 =	vshrl.u32 v6, $0x13;
	v6 =	vshll.u32 v6, $0xD  }
0x68: {  	v8 =	vxor.u32 v8, v7;
	v5 =	vadd.s32 $0x7B, v5;
	v6 =	vor.u32 v9, v6  }
0x69: {  	v7 =	vadd.s32 v7, v8;
	v9 =	vshrl.u32 v8, $0x10;
	v6 =	vxor.u32 v6, v5  }
0x6a: {  	v8 =	vshll.u32 v8, $0x10;
	v10 =	vshrl.u32 v6, $0x11;
	v11 =	vshll.u32 v6, $0xF  }
0x6b: {  	v8 =	vor.u32 v9, v8;
	v5 =	vadd.s32 v5, v6;
	v6 =	vor.u32 v10, v11  }
0x6c: {  	v8 =	vxor.u32 v8, v7;
	v6 =	vxor.u32 v6, v5  }
0x6d: {  	v9 =	vshrl.u32 v8, $0x8;
	v10 =	vshrl.u32 v6, $0x6;
	v11 =	vshll.u32 v6, $0x1A  }
0x6e: {  	v12 =	vshll.u32 v8, $0x18;
	v5 =	vadd.s32 v5, v6;
	v6 =	vor.u32 v10, v11  }
0x6f: {  	v7 =	vadd.s32 v7, v8;
	v8 =	vor.u32 v9, v12;
	v6 =	vxor.u32 v6, v5  }
0x70: {  	v8 =	vxor.u32 v8, v7;
	v9 =	vshrl.u32 v6, $0x1A;
	v10 =	vshll.u32 v6, $0x6  }
0x71: {  	v8 =	vadd.s32 $0x2, v8;
	v5 =	vadd.s32 v5, v6;
	v6 =	vor.u32 v9, v10  }
0x72: {  	v7 =	vadd.s32 v8, v7;
	v9 =	vadd.s32 s8, v1;
	v6 =	vxor.u32 v6, v5  }
0x73: {  	v10 =	vshrl.u32 v8, $0x13;
	v5 =	vadd.s32 $0x1BD11BA1, v5;
	v6 =	vadd.s32 $0x5, v6  }
0x74: {  	v7 =	vadd.s32 $0x1BD11BA1, v7;
	v8 =	vshll.u32 v8, $0xD;
	v5 =	vxor.u32 v5, v6  }
0x75: {  	v2 =	vmax.u32 v3, v2;
	v6 =	vor.u32 v10, v8;
	v3 =	vshrl.u32 v5, $0x9  }
0x76: {  	v5 =	vshrl.u32 v9, $0x13;
	v6 =	vxor.u32 v6, v7;
	vm0 =	vgt.u32 v3, v2  }
0x77: {  	v8 =	vshrl.u32 v6, $0x11;
	v10 =	vshll.u32 v6, $0xF;
	v4 =	vsel vm0, s6, v4;
	s6 =	smov.u32 s7;
	s7 =	smov.u32 s8  }
0x78: {  	v11 =	vshll.u32 v9, $0xD;
	v6 =	vadd.s32 v7, v6;
	v7 =	vor.u32 v8, v10  }
0x79: {  	v5 =	vor.u32 v5, v11;
	v7 =	vxor.u32 v7, v6  }
0x7a: {  	v5 =	vxor.u32 v9, v5;
	v8 =	vshrl.u32 v7, $0x6;
	v10 =	vshll.u32 v7, $0x1A  }
0x7b: {  	v9 =	vadd.s32 v9, v5;
	v6 =	vadd.s32 v6, v7;
	v7 =	vor.u32 v8, v10  }
.Ltmp0:
0x7c: {  	v8 =	vshrl.u32 v5, $0x11;
	v5 =	vshll.u32 v5, $0xF;
	v7 =	vxor.u32 v7, v6;
	(pc) =	sbr.rel @p1 .LBB2_2-.Ltmp0, $4  }
0x7d: {  	v5 =	vor.u32 v8, v5;
	v8 =	vshrl.u32 v7, $0x1A;
	v10 =	vshll.u32 v7, $0x6  }
0x7e: {  	v11 =	vxor.u32 v5, v9;
	v5 =	vadd.s32 v6, v7;
	v6 =	vor.u32 v8, v10  }
0x7f: {  	v8 =	vshrl.u32 v11, $0x6;
	v10 =	vshll.u32 v11, $0x1A;
	v6 =	vxor.u32 v6, v5  }
0x80: {  	s8 =	sadd.s32 $0x1, s8;
	v7 =	vadd.s32 v9, v11;
	v8 =	vor.u32 v8, v10;
	v6 =	vadd.s32 $0x7E, v6  }
0x81: {  	v1 =	vxor.u32 v8, v7  }
0x82: {  	v8 =	vshrl.u32 v1, $0x1A;
	v9 =	vshll.u32 v1, $0x6  }
0x83: {  	v1 =	vadd.s32 v7, v1;
	v54 =	vor.u32 v8, v9  }
0x84: {  	v7 =	vxor.u32 v54, v1  }
0x85: {  	v7 =	vadd.s32 $0x1BD11BA2, v7  }
0x86: {  	v1 =	vadd.s32 v7, v1;
	v55 =	vshrl.u32 v7, $0xF;
	v7 =	vshll.u32 v7, $0x11  }
0x87: {  	v1 =	vadd.s32 $0x7B, v1;
	v7 =	vor.u32 v55, v7  }
0x88: {  	v7 =	vxor.u32 v7, v1  }
0x89: {  	v56 =	vshrl.u32 v7, $0x3;
	v57 =	vshll.u32 v7, $0x1D  }
0x8a: {  	v1 =	vadd.s32 v1, v7;
	v58 =	vor.u32 v56, v57  }
0x8b: {  	v7 =	vxor.u32 v58, v1  }
0x8c: {  	v59 =	vshrl.u32 v7, $0x10;
	v60 =	vshll.u32 v7, $0x10  }
0x8d: {  	v1 =	vadd.s32 v1, v7;
	v61 =	vor.u32 v59, v60  }
0x8e: {  	v7 =	vxor.u32 v61, v1  }
0x8f: {  	v62 =	vshrl.u32 v7, $0x8;
	v63 =	vshll.u32 v7, $0x18  }
0x90: {  	v1 =	vadd.s32 v1, v7;
	v11 =	vor.u32 v62, v63  }
0x91: {  	v7 =	vxor.u32 v11, v1  }
0x92: {  	v7 =	vadd.s32 $0x2, v7  }
0x93: {  	v1 =	vadd.s32 v7, v1;
	v12 =	vshrl.u32 v7, $0x13;
	v7 =	vshll.u32 v7, $0xD  }
0x94: {  	v1 =	vadd.s32 $0x1BD11BA1, v1;
	v7 =	vor.u32 v12, v7  }
0x95: {  	v7 =	vxor.u32 v7, v1  }
0x96: {  	v13 =	vshrl.u32 v6, $0xF;
	v14 =	vshrl.u32 v7, $0x11;
	v10 =	vshll.u32 v7, $0xF  }
0x97: {  	v11 =	vshll.u32 v6, $0x11;
	v1 =	vadd.s32 v1, v7;
	v15 =	vor.u32 v14, v10  }
0x98: {  	v5 =	vadd.s32 v5, v6;
	v16 =	vor.u32 v13, v11;
	v7 =	vxor.u32 v15, v1  }
0x99: {  	v6 =	vxor.u32 v16, v5;
	v17 =	vshrl.u32 v7, $0x6;
	v18 =	vshll.u32 v7, $0x1A  }
0x9a: {  	v19 =	vshrl.u32 v6, $0x3;
	v1 =	vadd.s32 v1, v7;
	v20 =	vor.u32 v17, v18  }
0x9b: {  	v21 =	vshll.u32 v6, $0x1D;
	v5 =	vadd.s32 v5, v6;
	v22 =	vxor.u32 v20, v1  }
0x9c: {  	v23 =	vor.u32 v19, v21;
	v24 =	vshrl.u32 v22, $0x1A;
	v25 =	vshll.u32 v22, $0x6  }
0x9d: {  	v7 =	vxor.u32 v23, v5;
	v1 =	vadd.s32 v1, v22;
	v26 =	vor.u32 v24, v25  }
0x9e: {  	v27 =	vshrl.u32 v7, $0x10;
	v28 =	vshll.u32 v7, $0x10;
	v6 =	vxor.u32 v26, v1  }
0x9f: {  	v5 =	vadd.s32 v5, v7;
	v29 =	vor.u32 v27, v28;
	v6 =	vadd.s32 $0x7E, v6  }
0xa0: {  	v7 =	vxor.u32 v29, v5;
	v30 =	vshrl.u32 v6, $0xF;
	v31 =	vshll.u32 v6, $0x11  }
0xa1: {  	v32 =	vshrl.u32 v7, $0x8;
	v1 =	vadd.s32 v1, v6;
	v33 =	vor.u32 v30, v31  }
0xa2: {  	v34 =	vshll.u32 v7, $0x18;
	v5 =	vadd.s32 v5, v7;
	v6 =	vxor.u32 v33, v1  }
0xa3: {  	v35 =	vor.u32 v32, v34;
	v36 =	vshrl.u32 v6, $0x3;
	v37 =	vshll.u32 v6, $0x1D  }
0xa4: {  	v7 =	vxor.u32 v35, v5;
	v1 =	vadd.s32 v1, v6;
	v38 =	vor.u32 v36, v37  }
0xa5: {  	v7 =	vadd.s32 $0x1BD11BA5, v7;
	v6 =	vxor.u32 v38, v1  }
0xa6: {  	v5 =	vadd.s32 v7, v5;
	v39 =	vshrl.u32 v6, $0x10;
	v40 =	vshll.u32 v6, $0x10  }
0xa7: {  	v41 =	vshrl.u32 v7, $0x13;
	v1 =	vadd.s32 v1, v6;
	v42 =	vor.u32 v39, v40  }
0xa8: {  	v7 =	vshll.u32 v7, $0xD;
	v5 =	vadd.s32 $0x7B, v5;
	v6 =	vxor.u32 v42, v1  }
0xa9: {  	v7 =	vor.u32 v41, v7;
	v43 =	vshrl.u32 v6, $0x8;
	v44 =	vshll.u32 v6, $0x18  }
0xaa: {  	v7 =	vxor.u32 v7, v5;
	v1 =	vadd.s32 v1, v6;
	v45 =	vor.u32 v43, v44  }
0xab: {  	v46 =	vshrl.u32 v7, $0x11;
	v6 =	vxor.u32 v45, v1  }
0xac: {  	v47 =	vshll.u32 v7, $0xF;
	v5 =	vadd.s32 v5, v7;
	v6 =	vadd.s32 $0x1BD11BA5, v6  }
0xad: {  	v1 =	vadd.s32 v6, v1;
	v48 =	vshrl.u32 v6, $0x13;
	v6 =	vshll.u32 v6, $0xD  }
0xae: {  	v8 =	vor.u32 v46, v47;
	v1 =	vadd.s32 $0x7B, v1;
	v6 =	vor.u32 v48, v6  }
0xaf: {  	v49 =	vxor.u32 v8, v5;
	v6 =	vxor.u32 v6, v1  }
0xb0: {  	v8 =	vshrl.u32 v49, $0x6;
	v50 =	vshrl.u32 v6, $0x11;
	v51 =	vshll.u32 v6, $0xF  }
0xb1: {  	v52 =	vshll.u32 v49, $0x1A;
	v1 =	vadd.s32 v1, v6;
	v53 =	vor.u32 v50, v51  }
0xb2: {  	v5 =	vadd.s32 v5, v49;
	v54 =	vor.u32 v8, v52;
	v6 =	vxor.u32 v53, v1  }
0xb3: {  	v7 =	vxor.u32 v54, v5;
	v55 =	vshrl.u32 v6, $0x6;
	v56 =	vshll.u32 v6, $0x1A  }
0xb4: {  	v57 =	vshrl.u32 v7, $0x1A;
	v1 =	vadd.s32 v1, v6;
	v58 =	vor.u32 v55, v56  }
0xb5: {  	v59 =	vshll.u32 v7, $0x6;
	v5 =	vadd.s32 v5, v7;
	v6 =	vxor.u32 v58, v1  }
0xb6: {  	v60 =	vor.u32 v57, v59;
	v61 =	vshrl.u32 v6, $0x1A;
	v62 =	vshll.u32 v6, $0x6  }
0xb7: {  	v7 =	vxor.u32 v60, v5;
	v1 =	vadd.s32 v1, v6;
	v63 =	vor.u32 v61, v62  }
0xb8: {  	v5 =	vadd.s32 $0x1BD11BA1, v5;
	v7 =	vadd.s32 $0x5, v7;
	v6 =	vxor.u32 v63, v1  }
0xb9: {  	v5 =	vxor.u32 v5, v7;
	v1 =	vadd.s32 $0x1BD11BA1, v1;
	v6 =	vadd.s32 $0x5, v6  }
.Ltmp1:
0xba: {  	v2 =	vmax.u32 v3, v2;
	v5 =	vshrl.u32 v5, $0x9;
	v1 =	vxor.u32 v1, v6;
	(pc) =	sbr.rel @p0 .LBB2_1-.Ltmp1, $4  }
0xbb: {  	vm0 =	vgt.u32 v5, v2;
	v2 =	vmax.u32 v5, v2;
	v1 =	vshrl.u32 v1, $0x9  }
0xbc: {  	v3 =	vsel vm0, s6, v4;
	vm15 =	vgt.u32 v1, v2  }
0xbd: {  	v1 =	vsel vm15, s7, v3  }
0xbe: {  	p1 =	por $0x0, $0x0;
	[tilespmem:s5+$0x0] =	vst v1;
	s5 =	simm.s32 $0x10  }
0xbf: {  	s2 =	simm.s32 $0x0;
	s31 =	simm.s32 $0x1  }
0xc0: {  	[hbm4b:s3+s2] =	stream.linear.scatter [tilespmem:s2], [sflag:$0x1], $0x80, $0x38;
	[tilespmem:$0x80] =	vst v63  }
0xc1: {  	_ =	swait.ge [sflag:s31], $0x80  }
0xc2: {  	[sflag:s31] =	ssyncset.done $0x0  }
0xc3: {  	[sflag:s31] =	ssyncadd.s32 $0xFFFFFF80  }
0xc4: {  	_ =	sfence.sel $0x180000  }
0xc5: {  	[bflag:$0x0] =	sbarrier.arrive $0xFFFF  }
0xc6: {  	p0 =	sne.s32 s1, $0x0;
	_ =	strace $0x90000047  }
0xc7: {  	s0 =	sadd.s32 @!p0 $0x100000, s0;
	[bflag:$0x2] =	sbarrier.arrive $0xFFFF  }
0xc8: {  	[sflag:s0] =	ssyncadd.tile.s32 @!p0 $0x1;
	_ =	shalt  }
.Lfunc_end2:
_tile_overlayer_lowered:
.L_overlay_start_2:
0xc9: {  	(tag) =	ssettag $0x2  }
0xca: {  	s0 =	rddreg [dreg:$0x0];
	s2 =	stileid.u32  }
0xcb: {  	s1 =	rddreg [dreg:$0x1];
	p0 =	sne.s32 s2, $0x0  }
0xcc: {  	s3 =	rddreg [dreg:$0x2];
	[bflag:$0x3] =	sbarrier.arrive $0xFFFF;
	s2 =	simm.s32 @!p0 $0x1C01  }
0xcd: {  	[timem:s3], [sflag:s2] =	dma.local @!p0 [hbm:s0], s1  }
0xce: {  	s0 =	simm.s32 @!p0 $0x1  }
0xcf: {  	_ =	swait.ge @!p0 [sflag:s0], s1  }
0xd0: {  	s1 =	ssub.s32 @!p0 $0x0, s1;
	[sflag:s0] =	ssyncset.done @!p0 $0x0  }
0xd1: {  	[sflag:s0] =	ssyncadd.s32 @!p0 s1  }
0xd2: {  	[bflag:$0x3] =	sbarrier.arrive $0xFFFF  }
0xd3: {  	_ =	shalt  }

</sc_bundles>
